<compile_context>
chip_gen: v7x
topology: tpu7x:2x2x1
jax: 0.10.2.dev20260603
libtpu: 0.0.44.dev20260713+nightly
codegen_flags: <defaults>
</compile_context>

<pallas_src>
import functools

import jax
import jax.numpy as jnp
from jax import lax
from jax.experimental import pallas as pl
from jax.experimental.pallas import tpu as pltpu
from jax.experimental.pallas import tpu_sc as plsc

NN = 4


def _merge_top4(x, xi):
    nrows, b = x.shape
    big = jnp.int32(2**30)
    vals, idx = [], []
    for _ in range(NN):
        m = jnp.max(x, axis=0)
        sel = jnp.min(jnp.where(x == m[None], xi, big), axis=0)
        x = jnp.where(xi == sel[None], -jnp.inf, x)
        vals.append(m)
        idx.append(sel)
    return jnp.stack(vals, axis=0), jnp.stack(idx, axis=0)


def _tc_topk_body(num_steps, tgt_ref, seq_ref, idx_out_ref, vals_ref, gidx_ref):
    step = pl.program_id(0)
    sb, b, d = seq_ref.shape

    @pl.when(step == 0)
    def _init():
        vals_ref[...] = jnp.full((NN, b), -jnp.inf, jnp.float32)
        gidx_ref[...] = jnp.zeros((NN, b), jnp.int32)

    seq = seq_ref[...]
    tgt = tgt_ref[...]
    scores = jnp.sum(seq * tgt[None], axis=-1)
    rowid = step * sb + lax.broadcasted_iota(jnp.int32, (sb, b), 0)
    x = jnp.concatenate([vals_ref[...], scores], axis=0)
    xi = jnp.concatenate([gidx_ref[...], rowid], axis=0)
    nv, ni = _merge_top4(x, xi)
    vals_ref[...] = nv
    gidx_ref[...] = ni

    @pl.when(step == num_steps - 1)
    def _fin():
        col = lax.broadcasted_iota(jnp.int32, (NN, b), 1)
        idx_out_ref[...] = gidx_ref[...] * b + col


def _topk_indices(target_vec, seq_vecs, block_s=64):
    S, B, D = seq_vecs.shape
    num_steps = S // block_s
    return pl.pallas_call(
        functools.partial(_tc_topk_body, num_steps),
        grid=(num_steps,),
        in_specs=[
            pl.BlockSpec((B, D), lambda i: (0, 0)),
            pl.BlockSpec((block_s, B, D), lambda i: (i, 0, 0)),
        ],
        out_specs=pl.BlockSpec((NN, B), lambda i: (0, 0)),
        out_shape=jax.ShapeDtypeStruct((NN, B), jnp.int32),
        scratch_shapes=[
            pltpu.VMEM((NN, B), jnp.float32),
            pltpu.VMEM((NN, B), jnp.int32),
        ],
    )(target_vec, seq_vecs)


def _sc_gather(table, flat_idx, n_rows, d):
    info = plsc.get_sparse_core_info()
    nw = info.num_cores * info.num_subcores
    per_w = n_rows // nw
    mesh = plsc.VectorSubcoreMesh(core_axis_name="c", subcore_axis_name="s")

    @functools.partial(
        pl.kernel,
        out_type=jax.ShapeDtypeStruct((n_rows, d), jnp.float32),
        mesh=mesh,
        scratch_types=[
            pltpu.VMEM((per_w,), jnp.int32),
            pltpu.VMEM((per_w, d), jnp.float32),
            pltpu.SemaphoreType.DMA,
        ],
    )
    def gather_kernel(table_hbm, idx_hbm, out_hbm, idx_v, rows_v, sem):
        wid = lax.axis_index("s") * info.num_cores + lax.axis_index("c")
        base = wid * per_w
        pltpu.sync_copy(idx_hbm.at[pl.ds(base, per_w)], idx_v)
        pltpu.async_copy(table_hbm.at[idx_v], rows_v, sem).wait()
        pltpu.sync_copy(rows_v, out_hbm.at[pl.ds(base, per_w)])

    return gather_kernel(table, flat_idx)


def kernel(target_vec, seq_vecs):
    S, B, D = seq_vecs.shape
    flat_idx = _topk_indices(target_vec, seq_vecs).reshape(-1)
    flat = seq_vecs.reshape(S * B, D)
    rows = _sc_gather(flat, flat_idx, NN * B, D)
    return rows.reshape(NN, B, D)

# --- scband reference (transcript-rebuilt; emitter-appended) ---
"""Pipeline reference for scband-hipp-rnn-46488726012406 (READ-ONLY COPY).

The authoritative reference and input builder live on the scoring server;
editing this copy changes nothing except your own understanding.
"""

import jax, jax.numpy as jnp
import numpy as np

NN_NUM = 4  # num_negs (3) + 1

def setup_inputs(seed: int = 0) -> dict:
    key = jax.random.key(seed)
    k1, k2 = jax.random.split(key)
    target_vec = jax.random.normal(k1, (64, 512), dtype=jnp.float32)
    seq_vecs = jax.random.normal(k2, (2048, 64, 512), dtype=jnp.float32)
    return {"target_vec": target_vec, "seq_vecs": seq_vecs}

def reference(target_vec, seq_vecs):
    # Faithful JAX port of HippRNN.get_seq_nn (the core retrieval-kNN op):
    # dp_seq_target = sum(seq_vecs * target_vec.unsqueeze(0), dim=-1)  -> [S, B]
    # topk over dim 0 (sequence positions), then flat index_select gather.
    S, B, D = seq_vecs.shape
    dp_seq_target = jnp.sum(seq_vecs * target_vec[None, :, :], axis=-1)  # [S, B]
    # torch.topk(dp, nn_num, dim=0, sorted=True) == lax.top_k over last axis of transpose
    _, idx = jax.lax.top_k(jnp.transpose(dp_seq_target), NN_NUM)  # [B, NN_NUM]
    idx = jnp.transpose(idx)  # [NN_NUM, B]
    batch_idx = jnp.arange(B, dtype=idx.dtype)
    flat_idx = (idx * B + batch_idx[None, :]).reshape(-1)
    flat = seq_vecs.reshape(S * B, D)
    target_neg_vecs = jnp.take(flat, flat_idx, axis=0).reshape(NN_NUM, B, D)
    return target_neg_vecs

if __name__ == "__main__":
    import jax
    _d = setup_inputs()
    print(jax.jit(kernel)(*tuple(_d.values())))

</pallas_src>

<mosaic_0001>
#map = affine_map<(d0, d1) -> (0, 0)>
#map1 = affine_map<(d0, d1) -> (0)>
module attributes {stable_mosaic.version = 14 : i64} {
  func.func @gather_kernel(%arg0: i32, %arg1: i32, %arg2: memref<131072x512xf32, #tpu.memory_space<hbm>>, %arg3: memref<256xi32, #tpu.memory_space<hbm>>, %arg4: memref<256x512xf32, #tpu.memory_space<hbm>>, %arg5: memref<8xi32, #tpu.memory_space<vmem>>, %arg6: memref<8x512xf32, #tpu.memory_space<vmem>>, %arg7: memref<!tpu.dma_semaphore, #tpu.memory_space<semaphore_mem>>) attributes {dimension_semantics = [#tpu.dimension_semantics<core_parallel>, #tpu.dimension_semantics<subcore_parallel>], iteration_bounds = array<i64: 2, 16>, scalar_prefetch = 0 : i64, scratch_operands = 3 : i64, tpu.core_type = #tpu.core_type<sc_vector_subcore>, window_params = [{transform_indices = #map}, {transform_indices = #map1}, {transform_indices = #map}]} {
    %mul3A = arith.constant 2 : i32
    %mul3A_0 = arith.muli %arg1, %mul3A : i32
    %add3A = arith.addi %mul3A_0, %arg0 : i32
    %mul3A_1 = arith.constant 8 : i32
    %mul3A_2 = arith.muli %add3A, %mul3A_1 : i32
    "tpu.region"() ({
      %run_scoped3A = tpu.sem_alloc : memref<!tpu.dma_semaphore, #tpu.memory_space<semaphore_mem>>
      %dma_start3A_7 = tpu.memref_slice %arg3[%mul3A_2] : memref<256xi32, #tpu.memory_space<hbm>> -> memref<8xi32, #tpu.memory_space<hbm>>
      %dma_start3A_8 = tpu.memref_slice %arg3[%mul3A_2] : memref<256xi32, #tpu.memory_space<hbm>> -> memref<8xi32, #tpu.memory_space<hbm>>
      tpu.enqueue_dma source(%dma_start3A_8 : memref<8xi32, #tpu.memory_space<hbm>>) target(%arg5 : memref<8xi32, #tpu.memory_space<vmem>>) target_semaphore(%run_scoped3A : memref<!tpu.dma_semaphore, #tpu.memory_space<semaphore_mem>>)
      %dma_wait3A_9 = tpu.memref_slice %arg3[%mul3A_2] : memref<256xi32, #tpu.memory_space<hbm>> -> memref<8xi32, #tpu.memory_space<hbm>>
      %dma_wait3A_10 = tpu.memref_slice %arg3[%mul3A_2] : memref<256xi32, #tpu.memory_space<hbm>> -> memref<8xi32, #tpu.memory_space<hbm>>
      tpu.wait_dma2 semaphore(%run_scoped3A : memref<!tpu.dma_semaphore, #tpu.memory_space<semaphore_mem>>) src(%dma_wait3A_10 : memref<8xi32, #tpu.memory_space<hbm>>) dst(%arg5 : memref<8xi32, #tpu.memory_space<vmem>>)
      tpu.yield
    }) : () -> ()
    %dma_start3A = arith.constant 0 : i32
    %dma_start3A_3 = arith.constant 0 : i32
    %dma_start3A_4 = tpu.memref_slice %arg2[%dma_start3A, %dma_start3A_3] : memref<131072x512xf32, #tpu.memory_space<hbm>> -> memref<131072x512xf32, #tpu.memory_space<hbm>>
    tpu.enqueue_indirect_dma source(%dma_start3A_4 : memref<131072x512xf32, #tpu.memory_space<hbm>>) target(%arg6 : memref<8x512xf32, #tpu.memory_space<vmem>>) offsets(%arg5 : memref<8xi32, #tpu.memory_space<vmem>>) semaphore(%arg7 : memref<!tpu.dma_semaphore, #tpu.memory_space<semaphore_mem>>)
    %dma_wait3A = arith.constant 0 : i32
    %dma_wait3A_5 = arith.constant 0 : i32
    %dma_wait3A_6 = tpu.memref_slice %arg2[%dma_wait3A, %dma_wait3A_5] : memref<131072x512xf32, #tpu.memory_space<hbm>> -> memref<131072x512xf32, #tpu.memory_space<hbm>>
    tpu.wait_indirect_dma semaphore(%arg7 : memref<!tpu.dma_semaphore, #tpu.memory_space<semaphore_mem>>) src(%dma_wait3A_6 : memref<131072x512xf32, #tpu.memory_space<hbm>>) dst(%arg6 : memref<8x512xf32, #tpu.memory_space<vmem>>)
    "tpu.region"() ({
      %run_scoped3A = tpu.sem_alloc : memref<!tpu.dma_semaphore, #tpu.memory_space<semaphore_mem>>
      %dma_start3A_7 = arith.constant 0 : i32
      %dma_start3A_8 = tpu.memref_slice %arg4[%mul3A_2, %dma_start3A_7] : memref<256x512xf32, #tpu.memory_space<hbm>> -> memref<8x512xf32, #tpu.memory_space<hbm>>
      %dma_start3A_9 = arith.constant 0 : i32
      %dma_start3A_10 = tpu.memref_slice %arg4[%mul3A_2, %dma_start3A_9] : memref<256x512xf32, #tpu.memory_space<hbm>> -> memref<8x512xf32, #tpu.memory_space<hbm>>
      tpu.enqueue_dma source(%arg6 : memref<8x512xf32, #tpu.memory_space<vmem>>) target(%dma_start3A_10 : memref<8x512xf32, #tpu.memory_space<hbm>>) target_semaphore(%run_scoped3A : memref<!tpu.dma_semaphore, #tpu.memory_space<semaphore_mem>>)
      %dma_wait3A_11 = arith.constant 0 : i32
      %dma_wait3A_12 = tpu.memref_slice %arg4[%mul3A_2, %dma_wait3A_11] : memref<256x512xf32, #tpu.memory_space<hbm>> -> memref<8x512xf32, #tpu.memory_space<hbm>>
      %dma_wait3A_13 = arith.constant 0 : i32
      %dma_wait3A_14 = tpu.memref_slice %arg4[%mul3A_2, %dma_wait3A_13] : memref<256x512xf32, #tpu.memory_space<hbm>> -> memref<8x512xf32, #tpu.memory_space<hbm>>
      tpu.wait_dma2 semaphore(%run_scoped3A : memref<!tpu.dma_semaphore, #tpu.memory_space<semaphore_mem>>) src(%arg6 : memref<8x512xf32, #tpu.memory_space<vmem>>) dst(%dma_wait3A_14 : memref<8x512xf32, #tpu.memory_space<hbm>>)
      tpu.yield
    }) : () -> ()
    return
  }
}

module attributes {stable_mosaic.version = 14 : i64} {
  func.func @_tc_topk_body(%arg0: i32, %arg1: memref<64x512xf32, #tpu.memory_space<vmem>>, %arg2: memref<64x64x512xf32, #tpu.memory_space<vmem>>, %arg3: memref<4x64xi32, #tpu.memory_space<vmem>>, %arg4: memref<4x64xf32, #tpu.memory_space<vmem>>, %arg5: memref<4x64xi32, #tpu.memory_space<vmem>>) attributes {dimension_semantics = [#tpu.dimension_semantics<arbitrary>], iteration_bounds = array<i64: 32>, scalar_prefetch = 0 : i64, scratch_operands = 2 : i64, tpu.core_type = #tpu.core_type<tc>, window_params = [{pipeline_mode = #tpu.pipeline_mode<synchronous>, transform_indices = @transform_0, window_bounds = array<i64: 64, 512>}, {transform_indices = @transform_1, window_bounds = array<i64: 64, 64, 512>}, {pipeline_mode = #tpu.pipeline_mode<synchronous>, transform_indices = @transform_2, window_bounds = array<i64: 4, 64>}]} {
    %eq3A = arith.constant 0 : i32
    %eq3A_0 = arith.cmpi eq, %arg0, %eq3A : i32
    %convert_element_type3A = arith.extui %eq3A_0 : i1 to i32
    %cond3A = arith.constant 0 : i32
    %cond3A_1 = arith.cmpi ne, %convert_element_type3A, %cond3A : i32
    scf.if %cond3A_1 {
      %broadcast_in_dim3A_93 = arith.constant 0xFF800000 : f32
      %broadcast_in_dim3A_94 = vector.broadcast %broadcast_in_dim3A_93 : f32 to vector<4x64xf32>
      %swap3A_95 = arith.constant 0 : index
      %swap3A_96 = arith.constant 0 : index
      %swap3A_97 = vector.load %arg4[%swap3A_95, %swap3A_96] : memref<4x64xf32, #tpu.memory_space<vmem>>, vector<4x64xf32>
      tpu.vector_store %arg4[%swap3A_95, %swap3A_96], %broadcast_in_dim3A_94 {strides = array<i32>} : memref<4x64xf32, #tpu.memory_space<vmem>>, vector<4x64xf32>,
      %broadcast_in_dim3A_98 = arith.constant 0 : i32
      %broadcast_in_dim3A_99 = vector.broadcast %broadcast_in_dim3A_98 : i32 to vector<4x64xi32>
      %swap3A_100 = arith.constant 0 : index
      %swap3A_101 = arith.constant 0 : index
      %swap3A_102 = vector.load %arg5[%swap3A_100, %swap3A_101] : memref<4x64xi32, #tpu.memory_space<vmem>>, vector<4x64xi32>
      tpu.vector_store %arg5[%swap3A_100, %swap3A_101], %broadcast_in_dim3A_99 {strides = array<i32>} : memref<4x64xi32, #tpu.memory_space<vmem>>, vector<4x64xi32>,
    } else {
    }
    %get3A = arith.constant 0 : index
    %get3A_2 = arith.constant 0 : index
    %get3A_3 = arith.constant 0 : index
    %get3A_4 = vector.load %arg2[%get3A, %get3A_2, %get3A_3] : memref<64x64x512xf32, #tpu.memory_space<vmem>>, vector<64x64x512xf32>
    %get3A_5 = arith.constant 0 : index
    %get3A_6 = arith.constant 0 : index
    %get3A_7 = vector.load %arg1[%get3A_5, %get3A_6] : memref<64x512xf32, #tpu.memory_space<vmem>>, vector<64x512xf32>
    %broadcast_in_dim3A = vector.shape_cast %get3A_7 : vector<64x512xf32> to vector<1x64x512xf32>
    %mul3A = vector.broadcast %broadcast_in_dim3A : vector<1x64x512xf32> to vector<64x64x512xf32>
    %mul3A_8 = arith.mulf %get3A_4, %mul3A : vector<64x64x512xf32>
    %reduce_sum3A = arith.constant dense<0.000000e+00> : vector<64x64xf32>
    %reduce_sum3A_9 = vector.multi_reduction <add>, %mul3A_8, %reduce_sum3A [2] : vector<64x64x512xf32> to vector<64x64xf32>
    %mul3A_10 = arith.constant 64 : i32
    %mul3A_11 = arith.muli %arg0, %mul3A_10 : i32
    %iota3A = tpu.iota {dimensions = array<i32: 0>} : vector<64x64xi32>
    %add3A = vector.broadcast %mul3A_11 : i32 to vector<64x64xi32>
    %add3A_12 = arith.addi %add3A, %iota3A : vector<64x64xi32>
    %get3A_13 = arith.constant 0 : index
    %get3A_14 = arith.constant 0 : index
    %get3A_15 = vector.load %arg4[%get3A_13, %get3A_14] : memref<4x64xf32, #tpu.memory_space<vmem>>, vector<4x64xf32>
    %concatenate3A = tpu.concatenate %get3A_15, %reduce_sum3A_9 in 0 : vector<4x64xf32>, vector<64x64xf32> -> vector<68x64xf32>
    %get3A_16 = arith.constant 0 : index
    %get3A_17 = arith.constant 0 : index
    %get3A_18 = vector.load %arg5[%get3A_16, %get3A_17] : memref<4x64xi32, #tpu.memory_space<vmem>>, vector<4x64xi32>
    %concatenate3A_19 = tpu.concatenate %get3A_18, %add3A_12 in 0 : vector<4x64xi32>, vector<64x64xi32> -> vector<68x64xi32>
    %reduce_max3A = arith.constant dense<0xFF800000> : vector<64xf32>
    %reduce_max3A_20 = vector.multi_reduction <maximumf>, %concatenate3A, %reduce_max3A [0] : vector<68x64xf32> to vector<64xf32>
    %broadcast_in_dim3A_21 = vector.shape_cast %reduce_max3A_20 : vector<64xf32> to vector<1x64xf32>
    %eq3A_22 = vector.broadcast %broadcast_in_dim3A_21 : vector<1x64xf32> to vector<68x64xf32>
    %eq3A_23 = arith.cmpf oeq, %concatenate3A, %eq3A_22 : vector<68x64xf32>
    %jit3A = arith.constant 1073741824 : i32
    %broadcast_in_dim3A_24 = vector.broadcast %jit3A : i32 to vector<68x64xi32>
    %select_n3A = arith.select %eq3A_23, %concatenate3A_19, %broadcast_in_dim3A_24 : vector<68x64xi1>, vector<68x64xi32>
    %reduce_min3A = arith.constant dense<2147483647> : vector<64xi32>
    %reduce_min3A_25 = vector.multi_reduction <minsi>, %select_n3A, %reduce_min3A [0] : vector<68x64xi32> to vector<64xi32>
    %broadcast_in_dim3A_26 = vector.shape_cast %reduce_min3A_25 : vector<64xi32> to vector<1x64xi32>
    %eq3A_27 = vector.broadcast %broadcast_in_dim3A_26 : vector<1x64xi32> to vector<68x64xi32>
    %eq3A_28 = arith.cmpi eq, %concatenate3A_19, %eq3A_27 : vector<68x64xi32>
    %jit3A_29 = arith.constant 0xFF800000 : f32
    %broadcast_in_dim3A_30 = vector.broadcast %jit3A_29 : f32 to vector<68x64xf32>
    %select_n3A_31 = arith.select %eq3A_28, %broadcast_in_dim3A_30, %concatenate3A : vector<68x64xi1>, vector<68x64xf32>
    %reduce_max3A_32 = arith.constant dense<0xFF800000> : vector<64xf32>
    %reduce_max3A_33 = vector.multi_reduction <maximumf>, %select_n3A_31, %reduce_max3A_32 [0] : vector<68x64xf32> to vector<64xf32>
    %broadcast_in_dim3A_34 = vector.shape_cast %reduce_max3A_33 : vector<64xf32> to vector<1x64xf32>
    %eq3A_35 = vector.broadcast %broadcast_in_dim3A_34 : vector<1x64xf32> to vector<68x64xf32>
    %eq3A_36 = arith.cmpf oeq, %select_n3A_31, %eq3A_35 : vector<68x64xf32>
    %jit3A_37 = arith.constant 1073741824 : i32
    %broadcast_in_dim3A_38 = vector.broadcast %jit3A_37 : i32 to vector<68x64xi32>
    %select_n3A_39 = arith.select %eq3A_36, %concatenate3A_19, %broadcast_in_dim3A_38 : vector<68x64xi1>, vector<68x64xi32>
    %reduce_min3A_40 = arith.constant dense<2147483647> : vector<64xi32>
    %reduce_min3A_41 = vector.multi_reduction <minsi>, %select_n3A_39, %reduce_min3A_40 [0] : vector<68x64xi32> to vector<64xi32>
    %broadcast_in_dim3A_42 = vector.shape_cast %reduce_min3A_41 : vector<64xi32> to vector<1x64xi32>
    %eq3A_43 = vector.broadcast %broadcast_in_dim3A_42 : vector<1x64xi32> to vector<68x64xi32>
    %eq3A_44 = arith.cmpi eq, %concatenate3A_19, %eq3A_43 : vector<68x64xi32>
    %jit3A_45 = arith.constant 0xFF800000 : f32
    %broadcast_in_dim3A_46 = vector.broadcast %jit3A_45 : f32 to vector<68x64xf32>
    %select_n3A_47 = arith.select %eq3A_44, %broadcast_in_dim3A_46, %select_n3A_31 : vector<68x64xi1>, vector<68x64xf32>
    %reduce_max3A_48 = arith.constant dense<0xFF800000> : vector<64xf32>
    %reduce_max3A_49 = vector.multi_reduction <maximumf>, %select_n3A_47, %reduce_max3A_48 [0] : vector<68x64xf32> to vector<64xf32>
    %broadcast_in_dim3A_50 = vector.shape_cast %reduce_max3A_49 : vector<64xf32> to vector<1x64xf32>
    %eq3A_51 = vector.broadcast %broadcast_in_dim3A_50 : vector<1x64xf32> to vector<68x64xf32>
    %eq3A_52 = arith.cmpf oeq, %select_n3A_47, %eq3A_51 : vector<68x64xf32>
    %jit3A_53 = arith.constant 1073741824 : i32
    %broadcast_in_dim3A_54 = vector.broadcast %jit3A_53 : i32 to vector<68x64xi32>
    %select_n3A_55 = arith.select %eq3A_52, %concatenate3A_19, %broadcast_in_dim3A_54 : vector<68x64xi1>, vector<68x64xi32>
    %reduce_min3A_56 = arith.constant dense<2147483647> : vector<64xi32>
    %reduce_min3A_57 = vector.multi_reduction <minsi>, %select_n3A_55, %reduce_min3A_56 [0] : vector<68x64xi32> to vector<64xi32>
    %broadcast_in_dim3A_58 = vector.shape_cast %reduce_min3A_57 : vector<64xi32> to vector<1x64xi32>
    %eq3A_59 = vector.broadcast %broadcast_in_dim3A_58 : vector<1x64xi32> to vector<68x64xi32>
    %eq3A_60 = arith.cmpi eq, %concatenate3A_19, %eq3A_59 : vector<68x64xi32>
    %jit3A_61 = arith.constant 0xFF800000 : f32
    %broadcast_in_dim3A_62 = vector.broadcast %jit3A_61 : f32 to vector<68x64xf32>
    %select_n3A_63 = arith.select %eq3A_60, %broadcast_in_dim3A_62, %select_n3A_47 : vector<68x64xi1>, vector<68x64xf32>
    %reduce_max3A_64 = arith.constant dense<0xFF800000> : vector<64xf32>
    %reduce_max3A_65 = vector.multi_reduction <maximumf>, %select_n3A_63, %reduce_max3A_64 [0] : vector<68x64xf32> to vector<64xf32>
    %broadcast_in_dim3A_66 = vector.shape_cast %reduce_max3A_65 : vector<64xf32> to vector<1x64xf32>
    %eq3A_67 = vector.broadcast %broadcast_in_dim3A_66 : vector<1x64xf32> to vector<68x64xf32>
    %eq3A_68 = arith.cmpf oeq, %select_n3A_63, %eq3A_67 : vector<68x64xf32>
    %jit3A_69 = arith.constant 1073741824 : i32
    %broadcast_in_dim3A_70 = vector.broadcast %jit3A_69 : i32 to vector<68x64xi32>
    %select_n3A_71 = arith.select %eq3A_68, %concatenate3A_19, %broadcast_in_dim3A_70 : vector<68x64xi1>, vector<68x64xi32>
    %reduce_min3A_72 = arith.constant dense<2147483647> : vector<64xi32>
    %reduce_min3A_73 = vector.multi_reduction <minsi>, %select_n3A_71, %reduce_min3A_72 [0] : vector<68x64xi32> to vector<64xi32>
    %stack3A = vector.shape_cast %reduce_max3A_20 : vector<64xf32> to vector<1x64xf32>
    %stack3A_74 = vector.shape_cast %reduce_max3A_33 : vector<64xf32> to vector<1x64xf32>
    %stack3A_75 = vector.shape_cast %reduce_max3A_49 : vector<64xf32> to vector<1x64xf32>
    %stack3A_76 = vector.shape_cast %reduce_max3A_65 : vector<64xf32> to vector<1x64xf32>
    %stack3A_77 = tpu.concatenate %stack3A, %stack3A_74, %stack3A_75, %stack3A_76 in 0 : vector<1x64xf32>, vector<1x64xf32>, vector<1x64xf32>, vector<1x64xf32> -> vector<4x64xf32>
    %stack3A_78 = vector.shape_cast %reduce_min3A_25 : vector<64xi32> to vector<1x64xi32>
    %stack3A_79 = vector.shape_cast %reduce_min3A_41 : vector<64xi32> to vector<1x64xi32>
    %stack3A_80 = vector.shape_cast %reduce_min3A_57 : vector<64xi32> to vector<1x64xi32>
    %stack3A_81 = vector.shape_cast %reduce_min3A_73 : vector<64xi32> to vector<1x64xi32>
    %stack3A_82 = tpu.concatenate %stack3A_78, %stack3A_79, %stack3A_80, %stack3A_81 in 0 : vector<1x64xi32>, vector<1x64xi32>, vector<1x64xi32>, vector<1x64xi32> -> vector<4x64xi32>
    %swap3A = arith.constant 0 : index
    %swap3A_83 = arith.constant 0 : index
    %swap3A_84 = vector.load %arg4[%swap3A, %swap3A_83] : memref<4x64xf32, #tpu.memory_space<vmem>>, vector<4x64xf32>
    tpu.vector_store %arg4[%swap3A, %swap3A_83], %stack3A_77 {strides = array<i32>} : memref<4x64xf32, #tpu.memory_space<vmem>>, vector<4x64xf32>,
    %swap3A_85 = arith.constant 0 : index
    %swap3A_86 = arith.constant 0 : index
    %swap3A_87 = vector.load %arg5[%swap3A_85, %swap3A_86] : memref<4x64xi32, #tpu.memory_space<vmem>>, vector<4x64xi32>
    tpu.vector_store %arg5[%swap3A_85, %swap3A_86], %stack3A_82 {strides = array<i32>} : memref<4x64xi32, #tpu.memory_space<vmem>>, vector<4x64xi32>,
    %eq3A_88 = arith.constant 31 : i32
    %eq3A_89 = arith.cmpi eq, %arg0, %eq3A_88 : i32
    %convert_element_type3A_90 = arith.extui %eq3A_89 : i1 to i32
    %cond3A_91 = arith.constant 0 : i32
    %cond3A_92 = arith.cmpi ne, %convert_element_type3A_90, %cond3A_91 : i32
    scf.if %cond3A_92 {
      %iota3A_93 = tpu.iota {dimensions = array<i32: 1>} : vector<4x64xi32>
      %get3A_94 = arith.constant 0 : index
      %get3A_95 = arith.constant 0 : index
      %get3A_96 = vector.load %arg5[%get3A_94, %get3A_95] : memref<4x64xi32, #tpu.memory_space<vmem>>, vector<4x64xi32>
      %mul3A_97 = arith.constant 64 : i32
      %mul3A_98 = vector.broadcast %mul3A_97 : i32 to vector<4x64xi32>
      %mul3A_99 = arith.muli %get3A_96, %mul3A_98 : vector<4x64xi32>
      %add3A_100 = arith.addi %mul3A_99, %iota3A_93 : vector<4x64xi32>
      %swap3A_101 = arith.constant 0 : index
      %swap3A_102 = arith.constant 0 : index
      %swap3A_103 = vector.load %arg3[%swap3A_101, %swap3A_102] : memref<4x64xi32, #tpu.memory_space<vmem>>, vector<4x64xi32>
      tpu.vector_store %arg3[%swap3A_101, %swap3A_102], %add3A_100 {strides = array<i32>} : memref<4x64xi32, #tpu.memory_space<vmem>>, vector<4x64xi32>,
    } else {
    }
    return
  }
  func.func @transform_0(%arg0: i32) -> (i32, i32) {
    %c0_i32 = arith.constant 0 : i32
    %c0_i32_0 = arith.constant 0 : i32
    %c0_i32_1 = arith.constant 0 : i32
    return %c0_i32, %c0_i32_0 : i32, i32
  }
  func.func @transform_1(%arg0: i32) -> (i32, i32, i32) {
    %c0_i32 = arith.constant 0 : i32
    %c0_i32_0 = arith.constant 0 : i32
    %c0_i32_1 = arith.constant 0 : i32
    return %arg0, %c0_i32, %c0_i32_0 : i32, i32, i32
  }
  func.func @transform_2(%arg0: i32) -> (i32, i32) {
    %c0_i32 = arith.constant 0 : i32
    %c0_i32_0 = arith.constant 0 : i32
    %c0_i32_1 = arith.constant 0 : i32
    return %c0_i32, %c0_i32_0 : i32, i32
  }
}

</mosaic_0001>

<sc_bundles>
// kernel: kernel.4.cloned.1.call-start
scs
__scs_entry_jumppad:
0x0: {  	(pc) =	sbr.rel $0x88, $3  }
0x1: {  	(tag) =	ssettag $0x0;
	lr =	simm.s32 $0x1  }
0x2: {  	[smem:$0x3F9F] =	sst lr;
	_ =	strace $0xD0000000  }
0x3: {  	_ = 	snop  }
0x4: {  	_ = 	snop  }
0x5: {  	_ = 	snop  }
0x6: {  	_ = 	snop  }
0x7: {  	_ = 	snop  }
__scs_overlays_trampoline_lowered:
0x8: {  	[smem:$0x3FAE] =	sst s0  }
0x9: {  	[smem:$0x3FAF] =	sst s1  }
0xa: {  	[smem:$0x3FB0] =	sst s2  }
0xb: {  	[smem:$0x3FB1] =	sst s3  }
0xc: {  	[smem:$0x3FB2] =	sst s4  }
0xd: {  	[smem:$0x3FB3] =	sst s5  }
0xe: {  	[smem:$0x3FB4] =	sst s6  }
0xf: {  	[smem:$0x3FB5] =	sst s7  }
0x10: {  	[smem:$0x3FB6] =	sst s8  }
0x11: {  	[smem:$0x3FB7] =	sst s9;
	s0 =	simm.s32 @!p0 $0x0  }
0x12: {  	s1 =	sld [smem:$0x3F9D];
	s0 =	simm.s32 @p0 $0x1  }
0x13: {  	[smem:$0x3FB8] =	sst s0;
	s0 =	simm.s32 @!p1 $0x0  }
0x14: {  	s2 =	sld [smem:$0x3F9C];
	s0 =	simm.s32 @p1 $0x1  }
0x15: {  	[smem:$0x3FB9] =	sst s0;
	s0 =	simm.s32 @!p2 $0x0  }
0x16: {  	s3 =	sld [smem:$0x3FDB];
	s0 =	simm.s32 @p2 $0x1  }
0x17: {  	s4 =	simm.s32 $0x1BF5;
	[smem:$0x3FBB] =	sst s0  }
0x18: {  	s0 =	sld [smem:$0x3F9E];
	_ =	swait.ge [sflag:s4], $0x0  }
0x19: {  	s7 =	sld [smem:$0x3F9F]  }
0x1a: {  	s8 =	sadd.s32 $0xFFFFE003, lr  }
0x1b: {  	s9 =	sadd.s32 $0xFFFFFEF7, lr;
	s5 =	simm.s32 $0xFFFFFFFF;
	p2 =	slt.u32 s8, $0xFFFFF086  }
0x1c: {  	p1 =	slt.u32 s9, $0xF7A;
	s5 =	simm.s32 @!p2 $0x0  }
0x1d: {  	s5 =	simm.s32 @p1 $0x1;
	p0 =	seq.s32 s7, s2  }
0x1e: {  	s7 =	smul.u32 @!p0 $0xF7A, s2;
	p2 =	seq.s32 @!p0 s5, $0x0  }
0x1f: {  	s9 =	smul.u32 $0xF7A, s1;
	s8 =	simm.s32 @!p0 $0x1BF5;
	p2 =	por !p2, p0  }
0x20: {  	[sflag:s8] =	ssyncset.s32 @!p0 $0xFFFFF086;
	s6 =	sadd.s32 @!p0 s3, s7;
	s7 =	simm.s32 @!p0 $0x108  }
0x21: {  	s3 =	sadd.s32 s3, s9;
	s6 =	sadd.s32 @!p0 $0x88, s6;
	s7 =	simm.s32 @p2 $0x1082  }
0x22: {  	[simem:s7], [sflag:s8] =	dma.local @!p0 [hbm:s6], $0xF7A  }
0x23: {  	s9 =	sor.u32 $0xD0000000, s2;
	s6 =	simm.s32 $0x108;
	_ =	swait.ge @!p0 [sflag:s8], $0x0  }
0x24: {  	s3 =	sadd.s32 $0x88, s3;
	s6 =	simm.s32 @!p1 $0x1082;
	[sflag:s4] =	ssyncset.s32 $0xFFFFF086  }
0x25: {  	[simem:s6], [sflag:s4] =	dma.local [hbm:s3], $0xF7A  }
0x26: {  	[smem:$0x3F9F] =	sst s1;
	(tag) =	ssettag s2;
	_ =	strace s9  }
0x27: {  	s1 =	sld [smem:$0x3FAF]  }
0x28: {  	s2 =	sld [smem:$0x3FB0]  }
0x29: {  	s4 =	sld [smem:$0x3FB2]  }
0x2a: {  	p0 =	seq.s32 s5, $0x0;
	s5 =	sld [smem:$0x3FB3]  }
0x2b: {  	s6 =	sld [smem:$0x3FB4]  }
0x2c: {  	s7 =	sld [smem:$0x3FB5]  }
0x2d: {  	s3 =	simm.s32 $0x108;
	s8 =	sld [smem:$0x3FB6]  }
0x2e: {  	s3 =	simm.s32 @!p0 $0x1082;
	s9 =	sld [smem:$0x3FB7]  }
0x2f: {  	lr =	sadd.s32 s0, s3;
	s0 =	sld [smem:$0x3FAE]  }
0x30: {  	s3 =	sld [smem:$0x3FB1]  }
0x31: {  	[smem:$0x3FBA] =	sst s10  }
0x32: {  	s10 =	sld [smem:$0x3FB8];
	_ =	sdelay $0x3  }
0x33: {  	p0 =	seq.s32 s10, $0x1;
	s10 =	sld [smem:$0x3FBA];
	_ =	sdelay $0x3  }
0x34: {  	[smem:$0x3FBA] =	sst s10  }
0x35: {  	s10 =	sld [smem:$0x3FB9];
	_ =	sdelay $0x3  }
0x36: {  	p1 =	seq.s32 s10, $0x1;
	s10 =	sld [smem:$0x3FBA];
	_ =	sdelay $0x3  }
0x37: {  	[smem:$0x3FBA] =	sst s10  }
0x38: {  	s10 =	sld [smem:$0x3FBB]  }
0x39: {  	_ = 	snop;
	(pc) =	sbr.ind lr, $3  }
0x3a: {  	_ = 	snop  }
0x3b: {  	_ = 	snop  }
0x3c: {  	p2 =	seq.s32 s10, $0x1;
	s10 =	sld [smem:$0x3FBA]  }
0x3d: {  	_ =	shalt  }
0x3e: {  	_ =	shalt  }
0x3f: {  	_ =	shalt  }
0x40: {  	_ =	shalt  }
0x41: {  	_ =	shalt  }
0x42: {  	_ =	shalt  }
0x43: {  	_ =	shalt  }
0x44: {  	_ =	shalt  }
0x45: {  	_ =	shalt  }
0x46: {  	_ =	shalt  }
0x47: {  	_ =	shalt  }
0x48: {  	_ =	shalt  }
0x49: {  	_ =	shalt  }
0x4a: {  	_ =	shalt  }
0x4b: {  	_ =	shalt  }
0x4c: {  	_ =	shalt  }
0x4d: {  	_ =	shalt  }
0x4e: {  	_ =	shalt  }
0x4f: {  	_ =	shalt  }
0x50: {  	_ =	shalt  }
0x51: {  	_ =	shalt  }
0x52: {  	_ =	shalt  }
0x53: {  	_ =	shalt  }
0x54: {  	_ =	shalt  }
0x55: {  	_ =	shalt  }
0x56: {  	_ =	shalt  }
0x57: {  	_ =	shalt  }
0x58: {  	_ =	shalt  }
0x59: {  	_ =	shalt  }
0x5a: {  	_ =	shalt  }
0x5b: {  	_ =	shalt  }
0x5c: {  	_ =	shalt  }
0x5d: {  	_ =	shalt  }
0x5e: {  	_ =	shalt  }
0x5f: {  	_ =	shalt  }
0x60: {  	_ =	shalt  }
0x61: {  	_ =	shalt  }
0x62: {  	_ =	shalt  }
0x63: {  	_ =	shalt  }
0x64: {  	_ =	shalt  }
0x65: {  	_ =	shalt  }
0x66: {  	_ =	shalt  }
0x67: {  	_ =	shalt  }
0x68: {  	_ =	shalt  }
0x69: {  	_ =	shalt  }
0x6a: {  	_ =	shalt  }
0x6b: {  	_ =	shalt  }
0x6c: {  	_ =	shalt  }
0x6d: {  	_ =	shalt  }
0x6e: {  	_ =	shalt  }
0x6f: {  	_ =	shalt  }
0x70: {  	_ =	shalt  }
0x71: {  	_ =	shalt  }
0x72: {  	_ =	shalt  }
0x73: {  	_ =	shalt  }
0x74: {  	_ =	shalt  }
0x75: {  	_ =	shalt  }
0x76: {  	_ =	shalt  }
0x77: {  	_ =	shalt  }
0x78: {  	_ =	shalt  }
0x79: {  	_ =	shalt  }
0x7a: {  	_ =	shalt  }
0x7b: {  	_ =	shalt  }
0x7c: {  	_ =	shalt  }
0x7d: {  	_ =	shalt  }
0x7e: {  	_ =	shalt  }
0x7f: {  	_ =	shalt  }
0x80: {  	_ =	shalt  }
0x81: {  	_ =	shalt  }
0x82: {  	_ =	shalt  }
0x83: {  	_ =	shalt  }
0x84: {  	_ =	shalt  }
0x85: {  	_ =	shalt  }
0x86: {  	_ =	shalt  }
0x87: {  	_ =	shalt  }
.Lfunc_end0:
.L_simem_size_0:
called_computation_lowered:
.L_overlay_start_0:
0x88: {  	s2 =	sld [smem:$0x3FD9]  }
0x89: {  	s3 =	sld [smem:$0x3FFE];
	_ =	sdelay $0x1  }
0x8a: {  	s1 =	srdreg.scid  }
0x8b: {  	s0 =	sand.u32 $0x1, s1  }
0x8c: {  	s17 =	sshll.u32 s0, $0xA;
	s2 =	sadd.s32 s3, s2  }
0x8d: {  	s2 =	sadd.s32 s2, s17  }
0x8e: {  	[smem:$0x3FC6] =	sst s2  }
0x8f: {  	_ = 	snop  }
0x90: {  	s2 =	sld [smem:$0x3FC8]  }
0x91: {  	s18 =	sld [smem:$0x3FD0];
	(tm) =	ssettm $0x1  }
0x92: {  	s4 =	sld [smem:$0x3FFB];
	_ =	sdelay $0x3  }
0x93: {  	_ =	strace s4  }
0x94: {  	s4 =	sld [smem:$0x3FFC];
	_ =	sdelay $0x3  }
0x95: {  	_ =	strace s4  }
0x96: {  	s4 =	sld [smem:$0x3FFD];
	_ =	sdelay $0x3  }
0x97: {  	_ =	strace s4  }
0x98: {  	_ =	strace $0x8FFFFFFF  }
0x99: {  	s19 =	sld [smem:$0x3FDB];
	_ =	sdelay $0x1  }
0x9a: {  	s5 =	simm.s32 $_scs_section_size  }
0x9b: {  	s6 =	simm.s32 $_size__tile_overlayer_lowered;
	s7 =	simm.s32 $_tile_overlayer_lowered  }
0x9c: {  	s22 =	simm.s32 $0x1BFF;
	s21 =	sshll.u32 s7, $0x1;
	s4 =	sadd.s32 s5, s19  }
0x9d: {  	s8 =	simm.s32 $0x0;
	s20 =	sshll.u32 s6, $0x1;
	s6 =	sadd.s32 s21, s4  }
0x9e: {  	[timem:s8], [sflag:s22] =	dma.local [hbm:s6], s20  }
0x9f: {  	_ =	swait.ge [sflag:s22], s20  }
0xa0: {  	s5 =	ssub.s32 $0x0, s20;
	[sflag:s22] =	ssyncset.done $0x0  }
0xa1: {  	[sflag:s22] =	ssyncadd.s32 s5;
	_ =	sdelay $0x1  }
0xa2: {  	s23 =	simm.s32 $0x1B8B  }
0xa3: {  	_ =	swait.ge [sflag:s23], $0x1  }
0xa4: {  	[sflag:s23] =	ssyncset.done $0x0  }
0xa5: {  	s25 =	simm.s32 $0x1B8E;
	s24 =	sld [smem:$0x3FFE];
	[sflag:s23] =	ssyncadd.s32 $0xFFFFFFFF  }
0xa6: {  	s26 =	simm.s32 $execute0_lowered;
	[smem:$0x3FD2] =	sst s25  }
0xa7: {  	s6 =	sshll.u32 s26, $0x1;
	_ =	strace $0x80000046;
	[dreg:$0x1] =	wrdreg $0xFFFFFFFF  }
0xa8: {  	s28 =	simm.s32 $_size_execute0_lowered;
	s4 =	sadd.s32 s4, s6;
	[dreg:$0x0] =	wrdreg $0x0  }
0xa9: {  	s6 =	sshll.u32 s28, $0x1;
	[dreg:$0x2] =	wrdreg s4  }
0xaa: {  	[dreg:$0x3] =	wrdreg s6  }
0xab: {  	[dreg:$0x4] =	wrdreg $0xC0  }
0xac: {  	_ =	task [dreg:s8], $0x5FFFF  }
0xad: {  	[dreg:$0x1] =	wrdreg $0xFFFFFFFF  }
0xae: {  	[dreg:$0x0] =	wrdreg $0x60  }
0xaf: {  	[dreg:$0x2] =	wrdreg s2  }
0xb0: {  	[dreg:$0x3] =	wrdreg s24  }
0xb1: {  	[dreg:$0x4] =	wrdreg s18  }
0xb2: {  	[dreg:$0x5] =	wrdreg $0x9  }
0xb3: {  	_ =	task.clear_ibuf [dreg:s8], $0x6FFFF;
	_ =	strace $0x90000046  }
0xb4: {  	s29 =	simm.s32 $0x9;
	_ =	strace $0x80000048  }
0xb5: {  	_ =	swait.ge [sflag:s29], $0x1  }
0xb6: {  	[sflag:s29] =	ssyncadd.s32 $0xFFFFFFFF  }
0xb7: {  	_ =	strace $0x90000048  }
0xb8: {  	_ =	sfence  }
0xb9: {  	s30 =	sld [smem:$0x0];
	_ =	sdelay $0x2  }
0xba: {  	s31 =	sshll.u32 s1, $0xD;
	s1 =	sshrl.u32 s1, $0x2  }
0xbb: {  	s3 =	sand.u32 $0x4000, s31;
	s1 =	sadd.s32 s1, s30  }
0xbc: {  	s0 =	sor.u32 s3, s0;
	s1 =	sshll.u32 s1, $0x11  }
0xbd: {  	s0 =	sor.u32 s1, s0  }
0xbe: {  	s0 =	sadd.s32 $0x8F2B, s0  }
0xbf: {  	[sflag:s0] =	ssyncadd.remote.s32 $0x1  }
0xc0: {  	_ =	sfence.sel $0xFFFF  }
0xc1: {  	[dreg:$0x0] =	wrdreg $0xFFFFFFFF;
	(pc) =	sbr.abs _section_cstart, $3  }
0xc2: {  	[dreg:$0x1] =	wrdreg $0xFFFFFFFF  }
0xc3: {  	_ =	task.clear_ibuf [dreg:s8], $0x2FFFF;
	_ =	strace $0x9FFFFFFF  }
0xc4: {  	(tm) =	ssettm $0x7FFFFFFF  }
0xc5: {  	_ =	shalt  }
tec
execute0_lowered:
.L_overlay_start_1:
0x0: {  	(tag) =	ssettag $0x1  }
0x1: {  	s2 =	srdreg.scid  }
0x2: {  	s1 =	rddreg [dreg:$0x0];
	s0 =	stileid.u32;
	s6 =	sand.u32 $0x1, s2  }
0x3: {  	s4 =	rddreg [dreg:$0x1];
	s30 =	sshll.u32 s0, $0x4;
	s3 =	sshll.u32 s6, $0x3  }
0x4: {  	s10 =	rddreg [dreg:$0x2];
	s11 =	sor.u32 s3, s30  }
0x5: {  	s2 =	rddreg [dreg:$0x3];
	s3 =	simm.s32 $0x0;
	s5 =	sshrl.u32 s11, $0x3  }
0x6: {  	[smem:$0x7FF] =	sst s3;
	s4 =	sadd.s32 s5, s4  }
0x7: {  	_ =	strace $0x80000047;
	s5 =	sadd.s32 $0x600, s4;
	s4 =	simm.s32 $0x2  }
0x8: {  	[tilespmem:s3], [sflag:$0x2] =	stream.linear.gather [hbm4b:s5+s3], $0x8, $0x38;
	[tilespmem:$0x1080] =	vst v63  }
0x9: {  	_ =	swait.ge [sflag:s4], $0x8  }
0xa: {  	[sflag:s4] =	ssyncset.done $0x0  }
0xb: {  	[sflag:s4] =	ssyncadd.s32 $0xFFFFFFF8  }
0xc: {  	v0 =	vld.msk [tilespmem:$0x0], $0xff;
	_ =	sdelay $0x4  }
0xd: {  	v1 =	vshll.u32 v0, $0x2  }
0xe: {  	v2 =	vlaneseq.u32;
	v3 =	vand.u32 $0x7, v0;
	v1 =	vand.u32 $0xFFFFFFE0, v1  }
0xf: {  	v0 =	vand.u32 $0x7, v2;
	v2 =	vshrl.u32 v2, $0x3;
	v3 =	vor.u32 v3, v1  }
0x10: {  	v1 =	vmul.u32 $0x8, v2;
	v2 =	vperm.xlane v3, v0;
	_ =	sdelay $0x1  }
0x11: {  	v2 =	vadd.s32 v1, v2;
	_ =	sdelay $0x1  }
0x12: {  	s12 =	ssub.s32 $0x2, s6  }
0x13: {  	s13 =	sshrl.u32 s12, $0x1  }
0x14: {  	vm0 =	vmmov $0xffff;
	s8 =	simm.s32 $0x880;
	s6 =	simm.s32 $0x80;
	s12 =	ssub.s32 s12, s13  }
0x15: {  	[tilespmem:s6], [sflag:$0x1] =	stream.indirect_vreg.gather [hbm4b:s1+s3], $0x80, v2, vm0, $0xb8;
	[tilespmem:$0x1080] =	vst v63  }
0x16: {  	s9 =	simm.s32 $0x1;
	s7 =	sadd.s32 $0x100, s1;
	s31 =	smax.u32 s12, $0x1  }
0x17: {  	[tilespmem:s8], [sflag:$0x1] =	stream.indirect_vreg.gather [hbm4b:s7+s3], $0x80, v2, vm0, $0xb8;
	[tilespmem:$0x1080] =	vst v63  }
0x18: {  	p0 =	sne.s32 s31, $0x1;
	_ =	swait.ge [sflag:s9], $0x1000  }
.Ltmp0:
0x19: {  	s11 =	sshll.u32 s11, $0x6;
	[sflag:s9] =	ssyncset.done $0x0;
	(pc) =	sbr.rel @!p0 .LBB2_2-.Ltmp0, $4  }
0x1a: {  	s10 =	sadd.s32 s10, s11;
	[sflag:s9] =	ssyncadd.s32 $0xFFFFF000  }
0x1b: {  	[hbm4b:s10+s3] =	stream.linear.scatter [tilespmem:s6], [sflag:$0x2], $0x1000, $0x38;
	[tilespmem:$0x1080] =	vst v63  }
0x1c: {  	_ =	swait.ge [sflag:s4], $0x1000  }
0x1d: {  	s11 =	sadd.s32 $0xFFFFFFFF, s31;
	[sflag:s4] =	ssyncset.done $0x0  }
.LBB2_1:
0x1e: {  	p0 =	sne.s32 s11, $0x1;
	s11 =	sadd.s32 $0xFFFFFFFF, s11;
	[sflag:s4] =	ssyncadd.s32 $0xFFFFF000  }
0x1f: {  	[tilespmem:s3], [sflag:$0x2] =	stream.linear.gather [hbm4b:s5+s3], $0x8, $0x38;
	[tilespmem:$0x1080] =	vst v63  }
0x20: {  	_ =	swait.ge [sflag:s4], $0x8  }
0x21: {  	[sflag:s4] =	ssyncset.done $0x0  }
0x22: {  	[sflag:s4] =	ssyncadd.s32 $0xFFFFFFF8  }
0x23: {  	v2 =	vld.msk [tilespmem:$0x0], $0xff;
	_ =	sdelay $0x4  }
0x24: {  	v3 =	vshll.u32 v2, $0x2  }
0x25: {  	v2 =	vand.u32 $0x7, v2;
	v3 =	vand.u32 $0xFFFFFFE0, v3  }
0x26: {  	v2 =	vor.u32 v2, v3  }
0x27: {  	v2 =	vperm.xlane v2, v0;
	_ =	sdelay $0x1  }
0x28: {  	v2 =	vadd.s32 v1, v2;
	_ =	sdelay $0x4  }
0x29: {  	[tilespmem:s6], [sflag:$0x1] =	stream.indirect_vreg.gather [hbm4b:s1+s3], $0x80, v2, vm0, $0xb8;
	[tilespmem:$0x1080] =	vst v63  }
0x2a: {  	_ = 	snop  }
0x2b: {  	[tilespmem:s8], [sflag:$0x1] =	stream.indirect_vreg.gather [hbm4b:s7+s3], $0x80, v2, vm0, $0xb8;
	[tilespmem:$0x1080] =	vst v63  }
0x2c: {  	_ =	swait.ge [sflag:s9], $0x1000  }
.Ltmp1:
0x2d: {  	[sflag:s9] =	ssyncset.done $0x0;
	(pc) =	sbr.rel @p0 .LBB2_1-.Ltmp1, $4  }
0x2e: {  	[sflag:s9] =	ssyncadd.s32 $0xFFFFF000  }
0x2f: {  	[hbm4b:s10+s3] =	stream.linear.scatter [tilespmem:s6], [sflag:$0x2], $0x1000, $0x38;
	[tilespmem:$0x1080] =	vst v63  }
0x30: {  	_ =	swait.ge [sflag:s4], $0x1000  }
0x31: {  	[sflag:s4] =	ssyncset.done $0x0  }
.LBB2_2:
0x32: {  	[sflag:s4] =	ssyncadd.s32 $0xFFFFF000  }
0x33: {  	_ =	sfence.sel $0x180000  }
0x34: {  	[bflag:$0x0] =	sbarrier.arrive $0xFFFF  }
0x35: {  	p0 =	sne.s32 s0, $0x0;
	_ =	strace $0x90000047  }
0x36: {  	s0 =	sadd.s32 @!p0 $0x100000, s2;
	[bflag:$0x2] =	sbarrier.arrive $0xFFFF  }
0x37: {  	[sflag:s0] =	ssyncadd.tile.s32 @!p0 $0x1;
	_ =	shalt  }
.Lfunc_end2:
_tile_overlayer_lowered:
.L_overlay_start_2:
0x38: {  	(tag) =	ssettag $0x2  }
0x39: {  	s0 =	rddreg [dreg:$0x0];
	s2 =	stileid.u32  }
0x3a: {  	s1 =	rddreg [dreg:$0x1];
	p0 =	sne.s32 s2, $0x0  }
0x3b: {  	s3 =	rddreg [dreg:$0x2];
	[bflag:$0x3] =	sbarrier.arrive $0xFFFF;
	s2 =	simm.s32 @!p0 $0x1C02  }
0x3c: {  	[timem:s3], [sflag:s2] =	dma.local @!p0 [hbm:s0], s1  }
0x3d: {  	s0 =	simm.s32 @!p0 $0x2  }
0x3e: {  	_ =	swait.ge @!p0 [sflag:s0], s1  }
0x3f: {  	s1 =	ssub.s32 @!p0 $0x0, s1;
	[sflag:s0] =	ssyncset.done @!p0 $0x0  }
0x40: {  	[sflag:s0] =	ssyncadd.s32 @!p0 s1  }
0x41: {  	[bflag:$0x3] =	sbarrier.arrive $0xFFFF  }
0x42: {  	_ =	shalt  }

</sc_bundles>
